<compile_context>
chip_gen: v7x
topology: tpu7x:2x2x1
jax: 0.10.2.dev20260603
libtpu: 0.0.44.dev20260713+nightly
codegen_flags: <defaults>
</compile_context>

<pallas_src>
import math

import jax
import jax.numpy as jnp
from jax.experimental import pallas as pl

B, N, DIM = 1, 2048, 768
H, KQ, VAL, K = 12, 64, 64, 32


def _matmul_kernel(x_ref, w_ref, b_ref, o_ref):
    o_ref[...] = jnp.dot(x_ref[...], w_ref[...],
                         preferred_element_type=jnp.float32) + b_ref[...]


def _pallas_matmul(x, w, b):
    n, d = x.shape[0], w.shape[1]
    return pl.pallas_call(
        _matmul_kernel,
        out_shape=jax.ShapeDtypeStruct((n, d), jnp.float32),
    )(x, w, b[None, :])


def kernel(x, WQ, bQ, WK, bK, WV, bV, WO, bO):
    def split_heads(t, d):
        return t.reshape(B, N, H, d).transpose(0, 2, 1, 3)

    q = split_heads(x @ WQ + bQ, KQ)
    k = split_heads(x @ WK + bK, KQ)
    v = split_heads(x @ WV + bV, VAL)
    scores = jnp.einsum('bhqd,bhkd->bhqk', q, k) / math.sqrt(KQ)
    top_vals, idx = jax.lax.top_k(scores, K)
    w = jax.nn.softmax(top_vals, axis=-1)
    nearest_values = jax.vmap(jax.vmap(lambda kv, ix: kv[ix]))(v, idx)
    out = jnp.einsum('bhqk,bhqkd->bhqd', w, nearest_values)
    out = out.transpose(0, 2, 1, 3).reshape(N, H * VAL)
    return _pallas_matmul(out, WO, bO).reshape(B, N, DIM)

# --- scband reference (transcript-rebuilt; emitter-appended) ---
"""Pipeline reference for scband-sparse-attention-27908697489500 (READ-ONLY COPY).

The authoritative reference and input builder live on the scoring server;
editing this copy changes nothing except your own understanding.
"""

import jax, jax.numpy as jnp
import numpy as np
import math

B, N, DIM = 1, 2048, 768
H, KQ, VAL, K = 12, 64, 64, 32


def setup_inputs(seed: int = 0) -> dict:
    key = jax.random.key(seed)
    ks = jax.random.split(key, 9)
    x = jax.random.normal(ks[0], (B, N, DIM), dtype=jnp.float32)
    s_in = 1.0 / math.sqrt(DIM)
    s_out = 1.0 / math.sqrt(VAL * H)
    WQ = (jax.random.normal(ks[1], (DIM, KQ * H), dtype=jnp.float32) * s_in)
    bQ = jax.random.normal(ks[2], (KQ * H,), dtype=jnp.float32) * 0.01
    WK = (jax.random.normal(ks[3], (DIM, KQ * H), dtype=jnp.float32) * s_in)
    bK = jax.random.normal(ks[4], (KQ * H,), dtype=jnp.float32) * 0.01
    WV = (jax.random.normal(ks[5], (DIM, VAL * H), dtype=jnp.float32) * s_in)
    bV = jax.random.normal(ks[6], (VAL * H,), dtype=jnp.float32) * 0.01
    WO = (jax.random.normal(ks[7], (VAL * H, DIM), dtype=jnp.float32) * s_out)
    bO = jax.random.normal(ks[8], (DIM,), dtype=jnp.float32) * 0.01
    return {"x": x, "WQ": WQ, "bQ": bQ, "WK": WK, "bK": bK, "WV": WV, "bV": bV, "WO": WO, "bO": bO}


def _split_heads(t, d):
    # [B, N, H*d] -> [B, H, N, d]
    return t.reshape(B, N, H, d).transpose(0, 2, 1, 3)


def _gather(kv, ix):
    # kv: [Nk, d], ix: [Nq, K] -> [Nq, K, d]
    return kv[ix]


def reference(x, WQ, bQ, WK, bK, WV, bV, WO, bO):
    q = _split_heads(x @ WQ + bQ, KQ)          # [B,H,N,KQ]
    k = _split_heads(x @ WK + bK, KQ)          # [B,H,N,KQ]
    v = _split_heads(x @ WV + bV, VAL)         # [B,H,N,VAL]
    # full scores for nearest-k key selection (argKmin of -scores == top-k largest)
    scores = jnp.einsum('bhqd,bhkd->bhqk', q, k) / math.sqrt(KQ)
    _, idx = jax.lax.top_k(scores, K)          # [B,H,N,K]
    gather2 = jax.vmap(jax.vmap(_gather))
    nearest_keys = gather2(k, idx)             # [B,H,N,K,KQ]
    nearest_values = gather2(v, idx)           # [B,H,N,K,VAL]
    w = jnp.einsum('bhqd,bhqkd->bhqk', q, nearest_keys) / math.sqrt(KQ)
    w = jax.nn.softmax(w, axis=-1)             # [B,H,N,K]
    out = jnp.einsum('bhqk,bhqkd->bhqd', w, nearest_values)  # [B,H,N,VAL]
    out = out.transpose(0, 2, 1, 3).reshape(B, N, H * VAL)    # combine heads
    return out @ WO + bO                        # [B,N,DIM]

if __name__ == "__main__":
    import jax
    _d = setup_inputs()
    print(jax.jit(kernel)(*tuple(_d.values())))

</pallas_src>

<mosaic_0001>
module attributes {stable_mosaic.version = 14 : i64} {
  func.func @_matmul_kernel(%arg0: memref<2048x768xf32, #tpu.memory_space<vmem>>, %arg1: memref<768x768xf32, #tpu.memory_space<vmem>>, %arg2: memref<1x768xf32, #tpu.memory_space<vmem>>, %arg3: memref<2048x768xf32, #tpu.memory_space<vmem>>) attributes {dimension_semantics = [], scalar_prefetch = 0 : i64, scratch_operands = 0 : i64, tpu.core_type = #tpu.core_type<tc>} {
    %get3A = arith.constant 0 : index
    %get3A_0 = arith.constant 0 : index
    %get3A_1 = vector.load %arg0[%get3A, %get3A_0] : memref<2048x768xf32, #tpu.memory_space<vmem>>, vector<2048x768xf32>
    %get3A_2 = arith.constant 0 : index
    %get3A_3 = arith.constant 0 : index
    %get3A_4 = vector.load %arg1[%get3A_2, %get3A_3] : memref<768x768xf32, #tpu.memory_space<vmem>>, vector<768x768xf32>
    %dot_general3A = arith.constant dense<0.000000e+00> : vector<2048x768xf32>
    %dot_general3A_5 = tpu.matmul %get3A_1, %get3A_4, %dot_general3A {dimension_numbers = #tpu.dot_dimension_numbers<[1], [0], [0], [1], [0, 0, 1, 1], [], []>, transpose_lhs_hint = false} : vector<2048x768xf32>, vector<768x768xf32>, vector<2048x768xf32> -> vector<2048x768xf32>
    %get3A_6 = arith.constant 0 : index
    %get3A_7 = arith.constant 0 : index
    %get3A_8 = vector.load %arg2[%get3A_6, %get3A_7] : memref<1x768xf32, #tpu.memory_space<vmem>>, vector<1x768xf32>
    %add3A = vector.broadcast %get3A_8 : vector<1x768xf32> to vector<2048x768xf32>
    %add3A_9 = arith.addf %dot_general3A_5, %add3A : vector<2048x768xf32>
    %swap3A = arith.constant 0 : index
    %swap3A_10 = arith.constant 0 : index
    %swap3A_11 = vector.load %arg3[%swap3A, %swap3A_10] : memref<2048x768xf32, #tpu.memory_space<vmem>>, vector<2048x768xf32>
    tpu.vector_store %arg3[%swap3A, %swap3A_10], %add3A_9 {strides = array<i32>} : memref<2048x768xf32, #tpu.memory_space<vmem>>, vector<2048x768xf32>,
    return
  }
}

</mosaic_0001>

<sc_bundles>
// kernel: sparse-core-data-format-call.cloned.1.call-start
scs
called_computation_lowered:
.L_overlay_start_0:
0x0: {  	s1 =	sld [smem:$0x3FD9]  }
0x1: {  	s2 =	sld [smem:$0x3FFE];
	_ =	sdelay $0x1  }
0x2: {  	s3 =	srdreg.scid  }
0x3: {  	s0 =	sand.u32 $0x1, s3  }
0x4: {  	s17 =	sshll.u32 s0, $0xA;
	s1 =	sadd.s32 s2, s1  }
0x5: {  	s1 =	sadd.s32 s1, s17  }
0x6: {  	[smem:$0x3FBF] =	sst s1  }
0x7: {  	_ = 	snop  }
0x8: {  	(tm) =	ssettm $0x1  }
0x9: {  	s18 =	sld [smem:$0x3FFB];
	_ =	sdelay $0x3  }
0xa: {  	_ =	strace s18  }
0xb: {  	s1 =	sld [smem:$0x3FFC];
	_ =	sdelay $0x3  }
0xc: {  	_ =	strace s1  }
0xd: {  	s1 =	sld [smem:$0x3FFD];
	_ =	sdelay $0x3  }
0xe: {  	_ =	strace s1  }
0xf: {  	_ =	strace $0x8FFFFFFF  }
0x10: {  	s19 =	sld [smem:$0x3FDB];
	_ =	sdelay $0x1  }
0x11: {  	s20 =	simm.s32 $_scs_section_size  }
0x12: {  	s4 =	simm.s32 $_size__tile_overlayer_lowered;
	s5 =	simm.s32 $_tile_overlayer_lowered  }
0x13: {  	s23 =	simm.s32 $0x1BFF;
	s22 =	sshll.u32 s5, $0x1;
	s1 =	sadd.s32 s20, s19  }
0x14: {  	s6 =	simm.s32 $0x0;
	s21 =	sshll.u32 s4, $0x1;
	s4 =	sadd.s32 s22, s1  }
0x15: {  	[timem:s6], [sflag:s23] =	dma.local [hbm:s4], s21  }
0x16: {  	_ =	swait.ge [sflag:s23], s21  }
0x17: {  	s2 =	ssub.s32 $0x0, s21;
	[sflag:s23] =	ssyncset.done $0x0  }
0x18: {  	[sflag:s23] =	ssyncadd.s32 s2;
	_ =	sdelay $0x1  }
0x19: {  	s24 =	simm.s32 $0x1B8B  }
0x1a: {  	_ =	swait.ge [sflag:s24], $0x1  }
0x1b: {  	[sflag:s24] =	ssyncset.done $0x0  }
0x1c: {  	s26 =	simm.s32 $0x1B8E;
	s25 =	sld [smem:$0x3FFE];
	[sflag:s24] =	ssyncadd.s32 $0xFFFFFFFF  }
0x1d: {  	s27 =	simm.s32 $execute0_lowered;
	[smem:$0x3FD2] =	sst s26  }
0x1e: {  	s4 =	sshll.u32 s27, $0x1;
	_ =	strace $0x80000046;
	[dreg:$0x1] =	wrdreg $0xFFFFFFFF  }
0x1f: {  	s28 =	simm.s32 $_size_execute0_lowered;
	s1 =	sadd.s32 s1, s4;
	[dreg:$0x0] =	wrdreg $0x0  }
0x20: {  	s4 =	sshll.u32 s28, $0x1;
	[dreg:$0x2] =	wrdreg s1  }
0x21: {  	[dreg:$0x3] =	wrdreg s4  }
0x22: {  	[dreg:$0x4] =	wrdreg $0xC0  }
0x23: {  	_ =	task [dreg:s6], $0x5FFFF  }
0x24: {  	[dreg:$0x1] =	wrdreg $0xFFFFFFFF  }
0x25: {  	[dreg:$0x0] =	wrdreg $0x60  }
0x26: {  	[dreg:$0x2] =	wrdreg s25  }
0x27: {  	[dreg:$0x3] =	wrdreg $0x9  }
0x28: {  	_ =	task.clear_ibuf [dreg:s6], $0x4FFFF;
	_ =	strace $0x90000046  }
0x29: {  	s29 =	simm.s32 $0x9;
	_ =	strace $0x80000048  }
0x2a: {  	_ =	swait.ge [sflag:s29], $0x1  }
0x2b: {  	[sflag:s29] =	ssyncadd.s32 $0xFFFFFFFF  }
0x2c: {  	_ =	strace $0x90000048  }
0x2d: {  	_ =	sfence  }
0x2e: {  	s30 =	sld [smem:$0x0];
	_ =	sdelay $0x2  }
0x2f: {  	s31 =	sshll.u32 s3, $0xD;
	s3 =	sshrl.u32 s3, $0x2  }
0x30: {  	s2 =	sand.u32 $0x4000, s31;
	s1 =	sadd.s32 s3, s30  }
0x31: {  	s0 =	sor.u32 s2, s0;
	s1 =	sshll.u32 s1, $0x11  }
0x32: {  	s0 =	sor.u32 s1, s0  }
0x33: {  	s0 =	sadd.s32 $0x8F2B, s0  }
0x34: {  	[sflag:s0] =	ssyncadd.remote.s32 $0x1  }
0x35: {  	_ =	sfence.sel $0xFFFF  }
0x36: {  	[dreg:$0x0] =	wrdreg $0xFFFFFFFF;
	(pc) =	sbr.abs _section_cstart, $3  }
0x37: {  	[dreg:$0x1] =	wrdreg $0xFFFFFFFF  }
0x38: {  	_ =	task.clear_ibuf [dreg:s6], $0x2FFFF;
	_ =	strace $0x9FFFFFFF  }
0x39: {  	(tm) =	ssettm $0x7FFFFFFF  }
tec
execute0_lowered:
.L_overlay_start_1:
0x0: {  	(tag) =	ssettag $0x1  }
0x1: {  	s0 =	stileid.u32;
	s2 =	srdreg.scid  }
0x2: {  	s8 =	simm.s32 $0x2;
	s1 =	sshll.u32 s0, $0x7;
	s2 =	sshll.u32 s2, $0x7  }
0x3: {  	s16 =	simm.s32 $0x0;
	s2 =	sand.u32 $0x80, s2;
	s3 =	ssub.s32 $0x800, s1  }
0x4: {  	s4 =	sshrl.u32 s3, $0xB;
	s3 =	sand.u32 $0x780, s3;
	s5 =	ssub.s32 $0x800, s2  }
0x5: {  	p0 =	sne.s32 s3, $0x0;
	s3 =	simm.s32 $0x1;
	s6 =	sshrl.u32 s5, $0x7  }
0x6: {  	s5 =	sshrl.u32 s5, $0x8;
	s3 =	simm.s32 @!p0 $0x0;
	s6 =	sand.u32 $0x1, s6  }
0x7: {  	s9 =	simm.s32 $0x4000;
	s3 =	sadd.s32 s3, s4;
	s5 =	sadd.s32 s5, s6  }
0x8: {  	s14 =	simm.s32 $0x0;
	s15 =	simm.s32 $0x0;
	s6 =	smul.u32 s5, s3  }
.Ltmp0:
0x9: {  	s12 =	simm.s32 $0x0;
	s4 =	rddreg [dreg:$0x0];
	(pc) =	sbr.rel .LBB1_1-.Ltmp0, $4  }
0xa: {  	s13 =	simm.s32 $0x0;
	s11 =	smov.u32 s1;
	s3 =	rddreg [dreg:$0x1]  }
0xb: {  	_ =	strace $0x80000047;
	s5 =	simm.s32 $0x1;
	s6 =	smul.u32 $0xC, s6  }
0xc: {  	s10 =	smov.u32 s2;
	p0 =	por $0x0, $0x0;
	[sflag:s5] =	ssyncpa.u1 $0x0  }
0xd: {  	s7 =	sadd.s32 $0x600000, s4;
	[sflag:s8] =	ssyncpa.u1 $0x0;
	s8 =	sor.u32 $0x1, s6  }
.LBB1_4:
0xe: {  	v5 =	vld [tilespmem:s19+$0xFFFFFFD0]  }
0xf: {  	[tilespmem:s20+$0x2040 ss:$0x81] =	vst.msk $0xffff, v1;
	v58 =	vld [tilespmem:s19+$0xFFFFFFE0]  }
0x10: {  	[tilespmem:s20+$0x2850 ss:$0x81] =	vst.msk $0xffff, v2;
	v59 =	vld [tilespmem:s19+$0xFFFFFFF0]  }
0x11: {  	s21 =	sshra.s32 s21, $0x2;
	[tilespmem:s20+$0x3060 ss:$0x81] =	vst.msk $0xffff, v3;
	v60 =	vld [tilespmem:s19+$0x0]  }
0x12: {  	[tilespmem:s20+$0x0 ss:$0x81] =	vst.msk $0xffff, v0;
	v61 =	vld [tilespmem:s19+$0x10];
	s18 =	sadd.s32 s21, s18  }
0x13: {  	s26 =	sshll.u32 s16, $0xB;
	v62 =	vld [tilespmem:s19+$0x20];
	[tilespmem:s18+$0x3870 ss:$0x81] =	vst.msk $0xffff, v4  }
0x14: {  	s27 =	sand.u32 $0x78, s14;
	s22 =	sshll.u32 s14, $0x3;
	v63 =	vld [tilespmem:s19+$0xFFFFFFC0];
	s29 =	sshll.u32 s16, $0x7;
	[tilespmem:s18+$0x810 ss:$0x81] =	vst.msk $0xffff, v5  }
0x15: {  	s15 =	sshll.u32 s15, $0x13;
	s20 =	sand.u32 $0x3FC000, s26;
	s28 =	sand.u32 $0x3FFC00, s22;
	[tilespmem:s18+$0x1020 ss:$0x81] =	vst.msk $0xffff, v58  }
0x16: {  	s31 =	sand.u32 $0x7, s14;
	s22 =	sand.u32 $0x400, s22;
	s19 =	sadd.s32 s28, s20;
	[tilespmem:s18+$0x1830 ss:$0x81] =	vst.msk $0xffff, v59  }
0x17: {  	s16 =	sand.u32 $0x380, s29;
	s30 =	sor.u32 s27, s22;
	s19 =	sshrl.u32 s19, $0x3;
	[tilespmem:s18+$0x2040 ss:$0x81] =	vst.msk $0xffff, v60  }
0x18: {  	s15 =	sadd.s32 s7, s15;
	s16 =	sor.u32 s16, s30;
	s19 =	sand.u32 $0x7FF00, s19;
	[tilespmem:s18+$0x2850 ss:$0x81] =	vst.msk $0xffff, v61  }
0x19: {  	s14 =	sshll.u32 s31, $0x12;
	s16 =	sshrl.u32 s16, $0x3;
	[tilespmem:s18+$0x3060 ss:$0x81] =	vst.msk $0xffff, v62;
	s15 =	sadd.s32 s19, s15  }
0x1a: {  	s14 =	sor.u32 $0x400, s14;
	[tilespmem:s18+$0x0 ss:$0x81] =	vst.msk $0xffff, v63;
	s15 =	sadd.s32 s16, s15  }
0x1b: {  	[hbm4b:s15+s14] =	stream.strided.scatter [tilespmem:s17], [sflag:$0x2], $0x4000, s9, s14, $0x20;
	[tilespmem:$0x10100] =	vst v63  }
.LBB1_5:
0x1c: {  	s17 =	sadd.s32 $0x100, s10  }
0x1d: {  	s14 =	sadd.s32 $0x800, s11;
	s18 =	smov.u32 s11;
	p2 =	sgt.s32 s17, $0x7FF  }
0x1e: {  	s18 =	smov.u32 @p2 s14  }
0x1f: {  	s14 =	simm.s32 $0x1;
	p3 =	sgt.s32 s18, $0x7FF  }
0x20: {  	s14 =	simm.s32 @!p3 $0x0  }
0x21: {  	s20 =	sadd.s32 s14, s12  }
0x22: {  	s17 =	smov.u32 @p2 s2;
	p2 =	sgt.s32 s20, $0xB  }
0x23: {  	p1 =	slt.u32 s13, $0x2;
	s20 =	simm.s32 @p2 $0x0;
	p2 =	sne.s32 s13, s8  }
.Ltmp1:
0x24: {  	s19 =	simm.s32 @!p1 $0x2;
	(pc) =	sbr.rel @!p2 .LBB1_6-.Ltmp1, $4  }
0x25: {  	s16 =	smov.u32 s10;
	s15 =	smov.u32 s12;
	_ =	swait.ge @!p1 [sflag:s19], $0x4000  }
0x26: {  	p0 =	por !p0, !p0;
	[sflag:s19] =	ssyncset.done @!p1 $0x0;
	s10 =	smov.u32 s17  }
0x27: {  	s18 =	smov.u32 @p3 s1;
	[sflag:s19] =	ssyncadd.s32 @!p1 $0xFFFFC000;
	s14 =	smov.u32 s11  }
0x28: {  	s11 =	smov.u32 s18;
	s13 =	sadd.s32 $0x1, s13;
	s12 =	smov.u32 s20  }
.LBB1_1:
0x29: {  	p1 =	sge.u32 s13, s6;
	s31 =	sadd.s32 $0xFFFFFFFF, s13  }
0x2a: {  	s17 =	sxor.u32 @!p1 $0xFFFFFFFF, s13;
	s18 =	sand.u32 @!p1 $0x78, s10;
	s19 =	sshll.u32 @!p1 s11, $0xB  }
0x2b: {  	s20 =	sshll.u32 @!p1 s11, $0x7;
	s21 =	sshll.u32 @!p1 s10, $0x3;
	s17 =	sshll.u32 @!p1 s17, $0xE  }
0x2c: {  	s19 =	sand.u32 @!p1 $0x3FC000, s19;
	s20 =	sand.u32 @!p1 $0x380, s20;
	s17 =	sand.u32 @!p1 $0x4000, s17  }
0x2d: {  	s19 =	sadd.s32 @!p1 s19, s21;
	s21 =	sand.u32 @!p1 $0x400, s21;
	s18 =	sor.u32 @!p1 s20, s18  }
0x2e: {  	s20 =	sshll.u32 @!p1 s12, $0x13;
	s18 =	sor.u32 @!p1 s21, s18;
	s19 =	sshrl.u32 @!p1 s19, $0x3  }
0x2f: {  	s20 =	sadd.s32 @!p1 s4, s20;
	s21 =	sand.u32 @!p1 $0x7, s10;
	s19 =	sand.u32 @!p1 $0x7FF00, s19  }
0x30: {  	s18 =	sshrl.u32 @!p1 s18, $0x3;
	s19 =	sadd.s32 @!p1 s19, s20;
	s20 =	sshll.u32 @!p1 s21, $0x12  }
0x31: {  	s18 =	sadd.s32 @!p1 s18, s19;
	s19 =	sor.u32 @!p1 $0x400, s20;
	s20 =	simm.s32 @!p1 $0x4000  }
0x32: {  	[tilespmem:s17], [sflag:$0x1] =	stream.strided.gather @!p1 [hbm4b:s18+s19], $0x4000, s20, s19, $0x38;
	[tilespmem:$0x10100] =	vst v63  }
0x33: {  	p1 =	sge.u32 s31, s6  }
.Ltmp2:
0x34: {  	_ = 	snop;
	(pc) =	sbr.rel @p1 .LBB1_5-.Ltmp2, $1  }
0x35: {  	_ =	sdelay $0x3  }
0x36: {  	s17 =	simm.s32 $0x1  }
0x37: {  	_ =	swait.ge [sflag:s5], $0x4000;
	s17 =	simm.s32 @!p0 $0x0  }
0x38: {  	[sflag:s5] =	ssyncset.done $0x0;
	s18 =	sshll.u32 s17, $0xE  }
0x39: {  	[sflag:s5] =	ssyncadd.s32 $0xFFFFC000;
	s19 =	sor.u32 $0x40, s18  }
0x3a: {  	s17 =	smul.u32 $0x10200, s17;
	v0 =	vld [tilespmem:s19+$0x30]  }
0x3b: {  	v3 =	vld [tilespmem:s19+$0xFFFFFFD0]  }
0x3c: {  	s17 =	sshrl.u32 s17, $0x2;
	v4 =	vld [tilespmem:s19+$0xFFFFFFE0]  }
0x3d: {  	v5 =	vld [tilespmem:s19+$0xFFFFFFF0];
	s18 =	sor.u32 $0x8000, s17  }
0x3e: {  	s31 =	sand.u32 $0x1, s13;
	v1 =	vld [tilespmem:s19+$0x0];
	s20 =	sadd.s32 $0x0, s18  }
0x3f: {  	v2 =	vld [tilespmem:s19+$0x10];
	s17 =	smul.u32 $0x10200, s31;
	[tilespmem:s20+$0x3870 ss:$0x81] =	vst.msk $0xffff, v0  }
0x40: {  	[tilespmem:s20+$0x810 ss:$0x81] =	vst.msk $0xffff, v3;
	v3 =	vld [tilespmem:s19+$0x20]  }
0x41: {  	s17 =	sshrl.u32 s17, $0x2;
	v0 =	vld [tilespmem:s19+$0xFFFFFFC0];
	[tilespmem:s20+$0x1020 ss:$0x81] =	vst.msk $0xffff, v4;
	s19 =	sadd.s32 $0x80, s19  }
0x42: {  	s21 =	simm.s32 $0x4;
	s22 =	simm.s32 $0x8;
	s17 =	sor.u32 $0x8000, s17;
	[tilespmem:s20+$0x1830 ss:$0x81] =	vst.msk $0xffff, v5;
	v4 =	vld [tilespmem:s19+$0x30]  }
.LBB1_3:
0x43: {  	p1 =	sne.s32 s22, $0x1FC;
	v5 =	vld [tilespmem:s19+$0xFFFFFFD0];
	[tilespmem:s20+$0x2040 ss:$0x81] =	vst.msk $0xffff, v1  }
0x44: {  	v6 =	vld [tilespmem:s19+$0xFFFFFFE0];
	[tilespmem:s20+$0x2850 ss:$0x81] =	vst.msk $0xffff, v2  }
0x45: {  	s23 =	sshra.s32 s21, $0x2;
	s21 =	smov.u32 s22;
	v7 =	vld [tilespmem:s19+$0xFFFFFFF0];
	[tilespmem:s20+$0x3060 ss:$0x81] =	vst.msk $0xffff, v3  }
.Ltmp3:
0x46: {  	v1 =	vld [tilespmem:s19+$0x0];
	[tilespmem:s20+$0x0 ss:$0x81] =	vst.msk $0xffff, v0;
	s20 =	sadd.s32 s23, s18;
	(pc) =	sbr.rel @p1 .LBB1_3-.Ltmp3, $4  }
0x47: {  	v2 =	vld [tilespmem:s19+$0x10];
	[tilespmem:s20+$0x3870 ss:$0x81] =	vst.msk $0xffff, v4  }
0x48: {  	[tilespmem:s20+$0x810 ss:$0x81] =	vst.msk $0xffff, v5;
	v3 =	vld [tilespmem:s19+$0x20]  }
0x49: {  	v0 =	vld [tilespmem:s19+$0xFFFFFFC0];
	[tilespmem:s20+$0x1020 ss:$0x81] =	vst.msk $0xffff, v6;
	s19 =	sadd.s32 $0x80, s19  }
0x4a: {  	s22 =	sadd.s32 $0x4, s22;
	v4 =	vld [tilespmem:s19+$0x30];
	[tilespmem:s20+$0x1830 ss:$0x81] =	vst.msk $0xffff, v7  }
.Ltmp4:
0x4b: {  	_ = 	snop;
	(pc) =	sbr.rel .LBB1_4-.Ltmp4, $1  }
0x4c: {  	_ =	sdelay $0x3  }
.LBB1_6:
0x4d: {  	_ =	sfence.sel $0x180000  }
0x4e: {  	s1 =	simm.s32 $0x1;
	[bflag:$0x0] =	sbarrier.arrive $0xFFFF  }
0x4f: {  	s31 =	simm.s32 $0x2;
	[sflag:s1] =	ssyncpa.u1 $0x1  }
0x50: {  	[sflag:s31] =	ssyncpa.u1 $0x1  }
0x51: {  	p0 =	sne.s32 s0, $0x0;
	_ =	strace $0x90000047  }
0x52: {  	s0 =	sadd.s32 @!p0 $0x100000, s3;
	[bflag:$0x2] =	sbarrier.arrive $0xFFFF  }
0x53: {  	[sflag:s0] =	ssyncadd.tile.s32 @!p0 $0x1;
	_ =	shalt  }
.Lfunc_end1:
_tile_overlayer_lowered:
.L_overlay_start_2:
0x54: {  	(tag) =	ssettag $0x2  }
0x55: {  	s0 =	rddreg [dreg:$0x0];
	s2 =	stileid.u32  }
0x56: {  	s1 =	rddreg [dreg:$0x1];
	p0 =	sne.s32 s2, $0x0  }
0x57: {  	s3 =	rddreg [dreg:$0x2];
	[bflag:$0x3] =	sbarrier.arrive $0xFFFF;
	s2 =	simm.s32 @!p0 $0x1C01  }
0x58: {  	[timem:s3], [sflag:s2] =	dma.local @!p0 [hbm:s0], s1  }
0x59: {  	s0 =	simm.s32 @!p0 $0x1  }
0x5a: {  	_ =	swait.ge @!p0 [sflag:s0], s1  }
0x5b: {  	s1 =	ssub.s32 @!p0 $0x0, s1;
	[sflag:s0] =	ssyncset.done @!p0 $0x0  }
0x5c: {  	[sflag:s0] =	ssyncadd.s32 @!p0 s1  }
0x5d: {  	[bflag:$0x3] =	sbarrier.arrive $0xFFFF  }
0x5e: {  	_ =	shalt  }

</sc_bundles>
